<compile_context>
chip_gen: v7x
topology: tpu7x:2x2x1
jax: 0.10.2.dev20260603
libtpu: 0.0.44.dev20260713+nightly
codegen_flags: <defaults>
</compile_context>

<pallas_src>
import functools

import jax
import jax.numpy as jnp
from jax import lax
from jax.experimental import pallas as pl
from jax.experimental.pallas import tpu as pltpu
from jax.experimental.pallas import tpu_sc as plsc

N_EMBED = 8192
EMBED_DIM = 256
BETA = 0.25
N_TOKENS = 16384

TM = 256

SC_CORES = 2
SC_SUBCORES = 16
SC_WORKERS = SC_CORES * SC_SUBCORES
GATHER_CHUNK = 128


CN = 1024


def _w2_body(w_ref, w2_ref):
    w = w_ref[...]
    w2_ref[...] = jnp.sum(w * w, axis=1, keepdims=True) + jnp.zeros(
        (1, TM), jnp.float32)


def _w2(weight):
    return pl.pallas_call(
        _w2_body,
        out_shape=jax.ShapeDtypeStruct((N_EMBED, TM), jnp.float32),
    )(weight)


def _dist_argmin_body(z_ref, w_ref, w2_ref, idx_ref, dmin_ref):
    zt = z_ref[...]
    nrm = jnp.sqrt(jnp.sum(zt * zt, axis=1, keepdims=True))
    zn = zt / jnp.clip(nrm, 1e-12, None)
    z2 = jnp.sum(zn * zn, axis=1, keepdims=True)
    z2r = z2.reshape(1, TM)
    zm = zn * (-2.0)
    best_d = None
    best_i = None
    for c in range(0, N_EMBED, CN):
        dotn = lax.dot_general(
            w_ref[c:c + CN, :], zm, (((1,), (1,)), ((), ())),
            precision=lax.Precision.DEFAULT,
            preferred_element_type=jnp.float32,
        )
        d = (w2_ref[c:c + CN, :] + z2r) + dotn
        dmin_c = jnp.min(d, axis=0)
        ids = lax.broadcasted_iota(jnp.int32, d.shape, 0)
        cand = jnp.where(d == dmin_c[None, :], ids, jnp.int32(CN))
        idx_c = jnp.min(cand, axis=0) + c
        if best_d is None:
            best_d, best_i = dmin_c, idx_c
        else:
            best_i = jnp.where(dmin_c < best_d, idx_c, best_i)
            best_d = jnp.minimum(best_d, dmin_c)
    idx_ref[...] = best_i
    dmin_ref[...] = best_d


def _dist_argmin(z, weight):
    w2 = _w2(weight)
    grid = (N_TOKENS // TM,)
    return pl.pallas_call(
        _dist_argmin_body,
        grid=grid,
        in_specs=[
            pl.BlockSpec((TM, EMBED_DIM), lambda i: (i, 0)),
            pl.BlockSpec((N_EMBED, EMBED_DIM), lambda i: (0, 0)),
            pl.BlockSpec((N_EMBED, TM), lambda i: (0, 0)),
        ],
        out_specs=[
            pl.BlockSpec((TM,), lambda i: (i,)),
            pl.BlockSpec((TM,), lambda i: (i,)),
        ],
        out_shape=[
            jax.ShapeDtypeStruct((N_TOKENS,), jnp.int32),
            jax.ShapeDtypeStruct((N_TOKENS,), jnp.float32),
        ],
        compiler_params=pltpu.CompilerParams(
            dimension_semantics=("parallel",),
        ),
    )(z, weight, w2)


def _sc_gather(weight, idx):
    b_per_w = N_TOKENS // SC_WORKERS
    mesh = plsc.VectorSubcoreMesh(core_axis_name="c", subcore_axis_name="s")

    @functools.partial(
        pl.kernel,
        mesh=mesh,
        out_type=jax.ShapeDtypeStruct((N_TOKENS, EMBED_DIM), jnp.float32),
        scratch_types=[
            pltpu.VMEM((GATHER_CHUNK,), jnp.int32),
            pltpu.VMEM((GATHER_CHUNK, EMBED_DIM), jnp.float32),
            pltpu.SemaphoreType.DMA,
        ],
    )
    def gather_kernel(table_hbm, idx_hbm, out_hbm, idx_v, rows_v, sem):
        wid = lax.axis_index("s") * SC_CORES + lax.axis_index("c")
        base = wid * b_per_w

        @pl.loop(0, b_per_w, step=GATHER_CHUNK)
        def _(c):
            pltpu.sync_copy(idx_hbm.at[pl.ds(base + c, GATHER_CHUNK)], idx_v)
            pltpu.async_copy(table_hbm.at[idx_v], rows_v, sem).wait()
            pltpu.sync_copy(rows_v, out_hbm.at[pl.ds(base + c, GATHER_CHUNK)])

    return gather_kernel(weight, idx)


def kernel(z, weight):
    idx, dmin = _dist_argmin(z, weight)
    z_q = _sc_gather(weight, idx)
    loss = (BETA / EMBED_DIM) * jnp.mean(dmin)
    return (z_q, loss, idx)

# --- scband reference (transcript-rebuilt; emitter-appended) ---
"""Pipeline reference for scband-norm-emavector-quantizer-29463475650758 (READ-ONLY COPY).

The authoritative reference and input builder live on the scoring server;
editing this copy changes nothing except your own understanding.
"""

import jax, jax.numpy as jnp
import numpy as np

N_EMBED = 8192
EMBED_DIM = 256
BETA = 0.25
N_TOKENS = 16384

def l2norm(x, eps=1e-12):
    return x / jnp.clip(jnp.linalg.norm(x, axis=-1, keepdims=True), eps, None)

def setup_inputs(seed: int = 0) -> dict:
    key = jax.random.key(seed)
    k1, k2 = jax.random.split(key)
    z = jax.random.normal(k1, (N_TOKENS, EMBED_DIM), dtype=jnp.float32)
    # EmbeddingEMA weight: random init, kept l2-normalized by norm_ema updates
    weight = jax.random.normal(k2, (N_EMBED, EMBED_DIM), dtype=jnp.float32)
    weight = l2norm(weight)
    return {"z": z, "weight": weight}

def reference(z, weight):
    # z: [N, d] flattened tokens; weight: [K, d] EMA codebook
    zn = l2norm(z)
    z_flattened = zn
    # squared-euclidean distance to every code
    d = (jnp.sum(z_flattened ** 2, axis=1, keepdims=True)
         + jnp.sum(weight ** 2, axis=1)
         - 2.0 * jnp.einsum('bd,nd->bn', z_flattened, weight))
    encoding_indices = jnp.argmin(d, axis=1)
    z_q = jnp.take(weight, encoding_indices, axis=0)
    # commitment loss (z_q detached)
    loss = BETA * jnp.mean((jax.lax.stop_gradient(z_q) - zn) ** 2)
    # straight-through estimator
    z_q_st = zn + jax.lax.stop_gradient(z_q - zn)
    return (z_q_st, loss, encoding_indices)

if __name__ == "__main__":
    import jax
    _d = setup_inputs()
    print(jax.jit(kernel)(*tuple(_d.values())))

</pallas_src>

<mosaic_0001>
#map = affine_map<(d0, d1) -> (0, 0)>
#map1 = affine_map<(d0, d1) -> (0)>
module attributes {stable_mosaic.version = 14 : i64} {
  func.func @gather_kernel(%arg0: i32, %arg1: i32, %arg2: memref<8192x256xf32, #tpu.memory_space<hbm>>, %arg3: memref<16384xi32, #tpu.memory_space<hbm>>, %arg4: memref<16384x256xf32, #tpu.memory_space<hbm>>, %arg5: memref<128xi32, #tpu.memory_space<vmem>>, %arg6: memref<128x256xf32, #tpu.memory_space<vmem>>, %arg7: memref<!tpu.dma_semaphore, #tpu.memory_space<semaphore_mem>>) attributes {dimension_semantics = [#tpu.dimension_semantics<core_parallel>, #tpu.dimension_semantics<subcore_parallel>], iteration_bounds = array<i64: 2, 16>, scalar_prefetch = 0 : i64, scratch_operands = 3 : i64, tpu.core_type = #tpu.core_type<sc_vector_subcore>, window_params = [{transform_indices = #map}, {transform_indices = #map1}, {transform_indices = #map}]} {
    %mul3A = arith.constant 2 : i32
    %mul3A_0 = arith.muli %arg1, %mul3A : i32
    %add3A = arith.addi %mul3A_0, %arg0 : i32
    %mul3A_1 = arith.constant 512 : i32
    %mul3A_2 = arith.muli %add3A, %mul3A_1 : i32
    %scan3A = arith.constant 0 : i32
    %scan3A_3 = arith.constant 4 : i32
    %scan3A_4 = arith.addi %scan3A, %scan3A_3 : i32
    %scan3A_5 = arith.constant 1 : i32
    scf.for %scan3A_7 = %scan3A to %scan3A_4 step %scan3A_5  : i32 {
      %mul3A_8 = arith.constant 128 : i32
      %mul3A_9 = arith.muli %scan3A_7, %mul3A_8 : i32
      %add3A_10 = arith.constant 0 : i32
      %add3A_11 = arith.addi %add3A_10, %mul3A_9 : i32
      %add3A_12 = arith.addi %mul3A_2, %add3A_11 : i32
      "tpu.region"() ({
        %run_scoped3A = tpu.sem_alloc : memref<!tpu.dma_semaphore, #tpu.memory_space<semaphore_mem>>
        %dma_start3A_18 = tpu.memref_slice %arg3[%add3A_12] : memref<16384xi32, #tpu.memory_space<hbm>> -> memref<128xi32, #tpu.memory_space<hbm>>
        %dma_start3A_19 = tpu.memref_slice %arg3[%add3A_12] : memref<16384xi32, #tpu.memory_space<hbm>> -> memref<128xi32, #tpu.memory_space<hbm>>
        tpu.enqueue_dma source(%dma_start3A_19 : memref<128xi32, #tpu.memory_space<hbm>>) target(%arg5 : memref<128xi32, #tpu.memory_space<vmem>>) target_semaphore(%run_scoped3A : memref<!tpu.dma_semaphore, #tpu.memory_space<semaphore_mem>>)
        %dma_wait3A_20 = tpu.memref_slice %arg3[%add3A_12] : memref<16384xi32, #tpu.memory_space<hbm>> -> memref<128xi32, #tpu.memory_space<hbm>>
        %dma_wait3A_21 = tpu.memref_slice %arg3[%add3A_12] : memref<16384xi32, #tpu.memory_space<hbm>> -> memref<128xi32, #tpu.memory_space<hbm>>
        tpu.wait_dma2 semaphore(%run_scoped3A : memref<!tpu.dma_semaphore, #tpu.memory_space<semaphore_mem>>) src(%dma_wait3A_21 : memref<128xi32, #tpu.memory_space<hbm>>) dst(%arg5 : memref<128xi32, #tpu.memory_space<vmem>>)
        tpu.yield
      }) : () -> ()
      %dma_start3A = arith.constant 0 : i32
      %dma_start3A_13 = arith.constant 0 : i32
      %dma_start3A_14 = tpu.memref_slice %arg2[%dma_start3A, %dma_start3A_13] : memref<8192x256xf32, #tpu.memory_space<hbm>> -> memref<8192x256xf32, #tpu.memory_space<hbm>>
      tpu.enqueue_indirect_dma source(%dma_start3A_14 : memref<8192x256xf32, #tpu.memory_space<hbm>>) target(%arg6 : memref<128x256xf32, #tpu.memory_space<vmem>>) offsets(%arg5 : memref<128xi32, #tpu.memory_space<vmem>>) semaphore(%arg7 : memref<!tpu.dma_semaphore, #tpu.memory_space<semaphore_mem>>)
      %dma_wait3A = arith.constant 0 : i32
      %dma_wait3A_15 = arith.constant 0 : i32
      %dma_wait3A_16 = tpu.memref_slice %arg2[%dma_wait3A, %dma_wait3A_15] : memref<8192x256xf32, #tpu.memory_space<hbm>> -> memref<8192x256xf32, #tpu.memory_space<hbm>>
      tpu.wait_indirect_dma semaphore(%arg7 : memref<!tpu.dma_semaphore, #tpu.memory_space<semaphore_mem>>) src(%dma_wait3A_16 : memref<8192x256xf32, #tpu.memory_space<hbm>>) dst(%arg6 : memref<128x256xf32, #tpu.memory_space<vmem>>)
      %add3A_17 = arith.addi %mul3A_2, %add3A_11 : i32
      "tpu.region"() ({
        %run_scoped3A = tpu.sem_alloc : memref<!tpu.dma_semaphore, #tpu.memory_space<semaphore_mem>>
        %dma_start3A_18 = arith.constant 0 : i32
        %dma_start3A_19 = tpu.memref_slice %arg4[%add3A_17, %dma_start3A_18] : memref<16384x256xf32, #tpu.memory_space<hbm>> -> memref<128x256xf32, #tpu.memory_space<hbm>>
        %dma_start3A_20 = arith.constant 0 : i32
        %dma_start3A_21 = tpu.memref_slice %arg4[%add3A_17, %dma_start3A_20] : memref<16384x256xf32, #tpu.memory_space<hbm>> -> memref<128x256xf32, #tpu.memory_space<hbm>>
        tpu.enqueue_dma source(%arg6 : memref<128x256xf32, #tpu.memory_space<vmem>>) target(%dma_start3A_21 : memref<128x256xf32, #tpu.memory_space<hbm>>) target_semaphore(%run_scoped3A : memref<!tpu.dma_semaphore, #tpu.memory_space<semaphore_mem>>)
        %dma_wait3A_22 = arith.constant 0 : i32
        %dma_wait3A_23 = tpu.memref_slice %arg4[%add3A_17, %dma_wait3A_22] : memref<16384x256xf32, #tpu.memory_space<hbm>> -> memref<128x256xf32, #tpu.memory_space<hbm>>
        %dma_wait3A_24 = arith.constant 0 : i32
        %dma_wait3A_25 = tpu.memref_slice %arg4[%add3A_17, %dma_wait3A_24] : memref<16384x256xf32, #tpu.memory_space<hbm>> -> memref<128x256xf32, #tpu.memory_space<hbm>>
        tpu.wait_dma2 semaphore(%run_scoped3A : memref<!tpu.dma_semaphore, #tpu.memory_space<semaphore_mem>>) src(%arg6 : memref<128x256xf32, #tpu.memory_space<vmem>>) dst(%dma_wait3A_25 : memref<128x256xf32, #tpu.memory_space<hbm>>)
        tpu.yield
      }) : () -> ()
    }
    %scan3A_6 = arith.constant 4 : i32
    return
  }
}

module attributes {stable_mosaic.version = 14 : i64} {
  func.func @_dist_argmin_body(%arg0: i32, %arg1: memref<256x256xf32, #tpu.memory_space<vmem>>, %arg2: memref<8192x256xf32, #tpu.memory_space<vmem>>, %arg3: memref<8192x256xf32, #tpu.memory_space<vmem>>, %arg4: memref<256xi32, #tpu.memory_space<vmem>>, %arg5: memref<256xf32, #tpu.memory_space<vmem>>) attributes {dimension_semantics = [#tpu.dimension_semantics<parallel>], iteration_bounds = array<i64: 64>, scalar_prefetch = 0 : i64, scratch_operands = 0 : i64, tpu.core_type = #tpu.core_type<tc>, window_params = [{transform_indices = @transform_0, window_bounds = array<i64: 256, 256>}, {pipeline_mode = #tpu.pipeline_mode<synchronous>, transform_indices = @transform_1, window_bounds = array<i64: 8192, 256>}, {pipeline_mode = #tpu.pipeline_mode<synchronous>, transform_indices = @transform_2, window_bounds = array<i64: 8192, 256>}, {transform_indices = @transform_3, window_bounds = array<i64: 256>}, {transform_indices = @transform_4, window_bounds = array<i64: 256>}]} {
    %get3A = arith.constant 0 : index
    %get3A_0 = arith.constant 0 : index
    %get3A_1 = vector.load %arg1[%get3A, %get3A_0] : memref<256x256xf32, #tpu.memory_space<vmem>>, vector<256x256xf32>
    %mul3A = arith.mulf %get3A_1, %get3A_1 : vector<256x256xf32>
    %reduce_sum3A = arith.constant dense<0.000000e+00> : vector<256xf32>
    %reduce_sum3A_2 = vector.multi_reduction <add>, %mul3A, %reduce_sum3A [1] : vector<256x256xf32> to vector<256xf32>
    %broadcast_in_dim3A = vector.shape_cast %reduce_sum3A_2 : vector<256xf32> to vector<256x1xf32>
    %sqrt3A = math.sqrt %broadcast_in_dim3A : vector<256x1xf32>
    %jit3A = arith.constant 9.99999996E-13 : f32
    %max3A = vector.broadcast %jit3A : f32 to vector<256x1xf32>
    %max3A_3 = arith.maximumf %max3A, %sqrt3A : vector<256x1xf32>
    %div3A = vector.broadcast %max3A_3 : vector<256x1xf32> to vector<256x256xf32>
    %div3A_4 = arith.divf %get3A_1, %div3A : vector<256x256xf32>
    %mul3A_5 = arith.mulf %div3A_4, %div3A_4 : vector<256x256xf32>
    %reduce_sum3A_6 = arith.constant dense<0.000000e+00> : vector<256xf32>
    %reduce_sum3A_7 = vector.multi_reduction <add>, %mul3A_5, %reduce_sum3A_6 [1] : vector<256x256xf32> to vector<256xf32>
    %broadcast_in_dim3A_8 = vector.shape_cast %reduce_sum3A_7 : vector<256xf32> to vector<256x1xf32>
    %reshape3A = vector.shape_cast %broadcast_in_dim3A_8 : vector<256x1xf32> to vector<1x256xf32>
    %mul3A_9 = arith.constant -2.000000e+00 : f32
    %mul3A_10 = vector.broadcast %mul3A_9 : f32 to vector<256x256xf32>
    %mul3A_11 = arith.mulf %div3A_4, %mul3A_10 : vector<256x256xf32>
    %get3A_12 = arith.constant 0 : index
    %get3A_13 = arith.constant 0 : index
    %get3A_14 = vector.load %arg2[%get3A_12, %get3A_13] : memref<8192x256xf32, #tpu.memory_space<vmem>>, vector<1024x256xf32>
    %dot_general3A = arith.constant dense<0.000000e+00> : vector<1024x256xf32>
    %dot_general3A_15 = tpu.matmul %get3A_14, %mul3A_11, %dot_general3A {dimension_numbers = #tpu.dot_dimension_numbers<[1], [1], [0], [0], [0, 0, 1, 0], [], []>, transpose_lhs_hint = false} : vector<1024x256xf32>, vector<256x256xf32>, vector<1024x256xf32> -> vector<1024x256xf32>
    %get3A_16 = arith.constant 0 : index
    %get3A_17 = arith.constant 0 : index
    %get3A_18 = vector.load %arg3[%get3A_16, %get3A_17] : memref<8192x256xf32, #tpu.memory_space<vmem>>, vector<1024x256xf32>
    %add3A = vector.broadcast %reshape3A : vector<1x256xf32> to vector<1024x256xf32>
    %add3A_19 = arith.addf %get3A_18, %add3A : vector<1024x256xf32>
    %add3A_20 = arith.addf %add3A_19, %dot_general3A_15 : vector<1024x256xf32>
    %reduce_min3A = arith.constant dense<0x7F800000> : vector<256xf32>
    %reduce_min3A_21 = vector.multi_reduction <minimumf>, %add3A_20, %reduce_min3A [0] : vector<1024x256xf32> to vector<256xf32>
    %iota3A = tpu.iota {dimensions = array<i32: 0>} : vector<1024x256xi32>
    %broadcast_in_dim3A_22 = vector.shape_cast %reduce_min3A_21 : vector<256xf32> to vector<1x256xf32>
    %eq3A = vector.broadcast %broadcast_in_dim3A_22 : vector<1x256xf32> to vector<1024x256xf32>
    %eq3A_23 = arith.cmpf oeq, %add3A_20, %eq3A : vector<1024x256xf32>
    %jit3A_24 = arith.constant 1024 : i32
    %broadcast_in_dim3A_25 = vector.broadcast %jit3A_24 : i32 to vector<1024x256xi32>
    %select_n3A = arith.select %eq3A_23, %iota3A, %broadcast_in_dim3A_25 : vector<1024x256xi1>, vector<1024x256xi32>
    %reduce_min3A_26 = arith.constant dense<2147483647> : vector<256xi32>
    %reduce_min3A_27 = vector.multi_reduction <minsi>, %select_n3A, %reduce_min3A_26 [0] : vector<1024x256xi32> to vector<256xi32>
    %add3A_28 = arith.constant 0 : i32
    %add3A_29 = vector.broadcast %add3A_28 : i32 to vector<256xi32>
    %add3A_30 = arith.addi %reduce_min3A_27, %add3A_29 : vector<256xi32>
    %get3A_31 = arith.constant 1024 : index
    %get3A_32 = arith.constant 0 : index
    %get3A_33 = vector.load %arg2[%get3A_31, %get3A_32] : memref<8192x256xf32, #tpu.memory_space<vmem>>, vector<1024x256xf32>
    %dot_general3A_34 = arith.constant dense<0.000000e+00> : vector<1024x256xf32>
    %dot_general3A_35 = tpu.matmul %get3A_33, %mul3A_11, %dot_general3A_34 {dimension_numbers = #tpu.dot_dimension_numbers<[1], [1], [0], [0], [0, 0, 1, 0], [], []>, transpose_lhs_hint = false} : vector<1024x256xf32>, vector<256x256xf32>, vector<1024x256xf32> -> vector<1024x256xf32>
    %get3A_36 = arith.constant 1024 : index
    %get3A_37 = arith.constant 0 : index
    %get3A_38 = vector.load %arg3[%get3A_36, %get3A_37] : memref<8192x256xf32, #tpu.memory_space<vmem>>, vector<1024x256xf32>
    %add3A_39 = vector.broadcast %reshape3A : vector<1x256xf32> to vector<1024x256xf32>
    %add3A_40 = arith.addf %get3A_38, %add3A_39 : vector<1024x256xf32>
    %add3A_41 = arith.addf %add3A_40, %dot_general3A_35 : vector<1024x256xf32>
    %reduce_min3A_42 = arith.constant dense<0x7F800000> : vector<256xf32>
    %reduce_min3A_43 = vector.multi_reduction <minimumf>, %add3A_41, %reduce_min3A_42 [0] : vector<1024x256xf32> to vector<256xf32>
    %iota3A_44 = tpu.iota {dimensions = array<i32: 0>} : vector<1024x256xi32>
    %broadcast_in_dim3A_45 = vector.shape_cast %reduce_min3A_43 : vector<256xf32> to vector<1x256xf32>
    %eq3A_46 = vector.broadcast %broadcast_in_dim3A_45 : vector<1x256xf32> to vector<1024x256xf32>
    %eq3A_47 = arith.cmpf oeq, %add3A_41, %eq3A_46 : vector<1024x256xf32>
    %jit3A_48 = arith.constant 1024 : i32
    %broadcast_in_dim3A_49 = vector.broadcast %jit3A_48 : i32 to vector<1024x256xi32>
    %select_n3A_50 = arith.select %eq3A_47, %iota3A_44, %broadcast_in_dim3A_49 : vector<1024x256xi1>, vector<1024x256xi32>
    %reduce_min3A_51 = arith.constant dense<2147483647> : vector<256xi32>
    %reduce_min3A_52 = vector.multi_reduction <minsi>, %select_n3A_50, %reduce_min3A_51 [0] : vector<1024x256xi32> to vector<256xi32>
    %add3A_53 = arith.constant 1024 : i32
    %add3A_54 = vector.broadcast %add3A_53 : i32 to vector<256xi32>
    %add3A_55 = arith.addi %reduce_min3A_52, %add3A_54 : vector<256xi32>
    %lt3A = arith.cmpf olt, %reduce_min3A_43, %reduce_min3A_21 : vector<256xf32>
    %select_n3A_56 = arith.select %lt3A, %add3A_55, %add3A_30 : vector<256xi1>, vector<256xi32>
    %min3A = arith.minimumf %reduce_min3A_21, %reduce_min3A_43 : vector<256xf32>
    %get3A_57 = arith.constant 2048 : index
    %get3A_58 = arith.constant 0 : index
    %get3A_59 = vector.load %arg2[%get3A_57, %get3A_58] : memref<8192x256xf32, #tpu.memory_space<vmem>>, vector<1024x256xf32>
    %dot_general3A_60 = arith.constant dense<0.000000e+00> : vector<1024x256xf32>
    %dot_general3A_61 = tpu.matmul %get3A_59, %mul3A_11, %dot_general3A_60 {dimension_numbers = #tpu.dot_dimension_numbers<[1], [1], [0], [0], [0, 0, 1, 0], [], []>, transpose_lhs_hint = false} : vector<1024x256xf32>, vector<256x256xf32>, vector<1024x256xf32> -> vector<1024x256xf32>
    %get3A_62 = arith.constant 2048 : index
    %get3A_63 = arith.constant 0 : index
    %get3A_64 = vector.load %arg3[%get3A_62, %get3A_63] : memref<8192x256xf32, #tpu.memory_space<vmem>>, vector<1024x256xf32>
    %add3A_65 = vector.broadcast %reshape3A : vector<1x256xf32> to vector<1024x256xf32>
    %add3A_66 = arith.addf %get3A_64, %add3A_65 : vector<1024x256xf32>
    %add3A_67 = arith.addf %add3A_66, %dot_general3A_61 : vector<1024x256xf32>
    %reduce_min3A_68 = arith.constant dense<0x7F800000> : vector<256xf32>
    %reduce_min3A_69 = vector.multi_reduction <minimumf>, %add3A_67, %reduce_min3A_68 [0] : vector<1024x256xf32> to vector<256xf32>
    %iota3A_70 = tpu.iota {dimensions = array<i32: 0>} : vector<1024x256xi32>
    %broadcast_in_dim3A_71 = vector.shape_cast %reduce_min3A_69 : vector<256xf32> to vector<1x256xf32>
    %eq3A_72 = vector.broadcast %broadcast_in_dim3A_71 : vector<1x256xf32> to vector<1024x256xf32>
    %eq3A_73 = arith.cmpf oeq, %add3A_67, %eq3A_72 : vector<1024x256xf32>
    %jit3A_74 = arith.constant 1024 : i32
    %broadcast_in_dim3A_75 = vector.broadcast %jit3A_74 : i32 to vector<1024x256xi32>
    %select_n3A_76 = arith.select %eq3A_73, %iota3A_70, %broadcast_in_dim3A_75 : vector<1024x256xi1>, vector<1024x256xi32>
    %reduce_min3A_77 = arith.constant dense<2147483647> : vector<256xi32>
    %reduce_min3A_78 = vector.multi_reduction <minsi>, %select_n3A_76, %reduce_min3A_77 [0] : vector<1024x256xi32> to vector<256xi32>
    %add3A_79 = arith.constant 2048 : i32
    %add3A_80 = vector.broadcast %add3A_79 : i32 to vector<256xi32>
    %add3A_81 = arith.addi %reduce_min3A_78, %add3A_80 : vector<256xi32>
    %lt3A_82 = arith.cmpf olt, %reduce_min3A_69, %min3A : vector<256xf32>
    %select_n3A_83 = arith.select %lt3A_82, %add3A_81, %select_n3A_56 : vector<256xi1>, vector<256xi32>
    %min3A_84 = arith.minimumf %min3A, %reduce_min3A_69 : vector<256xf32>
    %get3A_85 = arith.constant 3072 : index
    %get3A_86 = arith.constant 0 : index
    %get3A_87 = vector.load %arg2[%get3A_85, %get3A_86] : memref<8192x256xf32, #tpu.memory_space<vmem>>, vector<1024x256xf32>
    %dot_general3A_88 = arith.constant dense<0.000000e+00> : vector<1024x256xf32>
    %dot_general3A_89 = tpu.matmul %get3A_87, %mul3A_11, %dot_general3A_88 {dimension_numbers = #tpu.dot_dimension_numbers<[1], [1], [0], [0], [0, 0, 1, 0], [], []>, transpose_lhs_hint = false} : vector<1024x256xf32>, vector<256x256xf32>, vector<1024x256xf32> -> vector<1024x256xf32>
    %get3A_90 = arith.constant 3072 : index
    %get3A_91 = arith.constant 0 : index
    %get3A_92 = vector.load %arg3[%get3A_90, %get3A_91] : memref<8192x256xf32, #tpu.memory_space<vmem>>, vector<1024x256xf32>
    %add3A_93 = vector.broadcast %reshape3A : vector<1x256xf32> to vector<1024x256xf32>
    %add3A_94 = arith.addf %get3A_92, %add3A_93 : vector<1024x256xf32>
    %add3A_95 = arith.addf %add3A_94, %dot_general3A_89 : vector<1024x256xf32>
    %reduce_min3A_96 = arith.constant dense<0x7F800000> : vector<256xf32>
    %reduce_min3A_97 = vector.multi_reduction <minimumf>, %add3A_95, %reduce_min3A_96 [0] : vector<1024x256xf32> to vector<256xf32>
    %iota3A_98 = tpu.iota {dimensions = array<i32: 0>} : vector<1024x256xi32>
    %broadcast_in_dim3A_99 = vector.shape_cast %reduce_min3A_97 : vector<256xf32> to vector<1x256xf32>
    %eq3A_100 = vector.broadcast %broadcast_in_dim3A_99 : vector<1x256xf32> to vector<1024x256xf32>
    %eq3A_101 = arith.cmpf oeq, %add3A_95, %eq3A_100 : vector<1024x256xf32>
    %jit3A_102 = arith.constant 1024 : i32
    %broadcast_in_dim3A_103 = vector.broadcast %jit3A_102 : i32 to vector<1024x256xi32>
    %select_n3A_104 = arith.select %eq3A_101, %iota3A_98, %broadcast_in_dim3A_103 : vector<1024x256xi1>, vector<1024x256xi32>
    %reduce_min3A_105 = arith.constant dense<2147483647> : vector<256xi32>
    %reduce_min3A_106 = vector.multi_reduction <minsi>, %select_n3A_104, %reduce_min3A_105 [0] : vector<1024x256xi32> to vector<256xi32>
    %add3A_107 = arith.constant 3072 : i32
    %add3A_108 = vector.broadcast %add3A_107 : i32 to vector<256xi32>
    %add3A_109 = arith.addi %reduce_min3A_106, %add3A_108 : vector<256xi32>
    %lt3A_110 = arith.cmpf olt, %reduce_min3A_97, %min3A_84 : vector<256xf32>
    %select_n3A_111 = arith.select %lt3A_110, %add3A_109, %select_n3A_83 : vector<256xi1>, vector<256xi32>
    %min3A_112 = arith.minimumf %min3A_84, %reduce_min3A_97 : vector<256xf32>
    %get3A_113 = arith.constant 4096 : index
    %get3A_114 = arith.constant 0 : index
    %get3A_115 = vector.load %arg2[%get3A_113, %get3A_114] : memref<8192x256xf32, #tpu.memory_space<vmem>>, vector<1024x256xf32>
    %dot_general3A_116 = arith.constant dense<0.000000e+00> : vector<1024x256xf32>
    %dot_general3A_117 = tpu.matmul %get3A_115, %mul3A_11, %dot_general3A_116 {dimension_numbers = #tpu.dot_dimension_numbers<[1], [1], [0], [0], [0, 0, 1, 0], [], []>, transpose_lhs_hint = false} : vector<1024x256xf32>, vector<256x256xf32>, vector<1024x256xf32> -> vector<1024x256xf32>
    %get3A_118 = arith.constant 4096 : index
    %get3A_119 = arith.constant 0 : index
    %get3A_120 = vector.load %arg3[%get3A_118, %get3A_119] : memref<8192x256xf32, #tpu.memory_space<vmem>>, vector<1024x256xf32>
    %add3A_121 = vector.broadcast %reshape3A : vector<1x256xf32> to vector<1024x256xf32>
    %add3A_122 = arith.addf %get3A_120, %add3A_121 : vector<1024x256xf32>
    %add3A_123 = arith.addf %add3A_122, %dot_general3A_117 : vector<1024x256xf32>
    %reduce_min3A_124 = arith.constant dense<0x7F800000> : vector<256xf32>
    %reduce_min3A_125 = vector.multi_reduction <minimumf>, %add3A_123, %reduce_min3A_124 [0] : vector<1024x256xf32> to vector<256xf32>
    %iota3A_126 = tpu.iota {dimensions = array<i32: 0>} : vector<1024x256xi32>
    %broadcast_in_dim3A_127 = vector.shape_cast %reduce_min3A_125 : vector<256xf32> to vector<1x256xf32>
    %eq3A_128 = vector.broadcast %broadcast_in_dim3A_127 : vector<1x256xf32> to vector<1024x256xf32>
    %eq3A_129 = arith.cmpf oeq, %add3A_123, %eq3A_128 : vector<1024x256xf32>
    %jit3A_130 = arith.constant 1024 : i32
    %broadcast_in_dim3A_131 = vector.broadcast %jit3A_130 : i32 to vector<1024x256xi32>
    %select_n3A_132 = arith.select %eq3A_129, %iota3A_126, %broadcast_in_dim3A_131 : vector<1024x256xi1>, vector<1024x256xi32>
    %reduce_min3A_133 = arith.constant dense<2147483647> : vector<256xi32>
    %reduce_min3A_134 = vector.multi_reduction <minsi>, %select_n3A_132, %reduce_min3A_133 [0] : vector<1024x256xi32> to vector<256xi32>
    %add3A_135 = arith.constant 4096 : i32
    %add3A_136 = vector.broadcast %add3A_135 : i32 to vector<256xi32>
    %add3A_137 = arith.addi %reduce_min3A_134, %add3A_136 : vector<256xi32>
    %lt3A_138 = arith.cmpf olt, %reduce_min3A_125, %min3A_112 : vector<256xf32>
    %select_n3A_139 = arith.select %lt3A_138, %add3A_137, %select_n3A_111 : vector<256xi1>, vector<256xi32>
    %min3A_140 = arith.minimumf %min3A_112, %reduce_min3A_125 : vector<256xf32>
    %get3A_141 = arith.constant 5120 : index
    %get3A_142 = arith.constant 0 : index
    %get3A_143 = vector.load %arg2[%get3A_141, %get3A_142] : memref<8192x256xf32, #tpu.memory_space<vmem>>, vector<1024x256xf32>
    %dot_general3A_144 = arith.constant dense<0.000000e+00> : vector<1024x256xf32>
    %dot_general3A_145 = tpu.matmul %get3A_143, %mul3A_11, %dot_general3A_144 {dimension_numbers = #tpu.dot_dimension_numbers<[1], [1], [0], [0], [0, 0, 1, 0], [], []>, transpose_lhs_hint = false} : vector<1024x256xf32>, vector<256x256xf32>, vector<1024x256xf32> -> vector<1024x256xf32>
    %get3A_146 = arith.constant 5120 : index
    %get3A_147 = arith.constant 0 : index
    %get3A_148 = vector.load %arg3[%get3A_146, %get3A_147] : memref<8192x256xf32, #tpu.memory_space<vmem>>, vector<1024x256xf32>
    %add3A_149 = vector.broadcast %reshape3A : vector<1x256xf32> to vector<1024x256xf32>
    %add3A_150 = arith.addf %get3A_148, %add3A_149 : vector<1024x256xf32>
    %add3A_151 = arith.addf %add3A_150, %dot_general3A_145 : vector<1024x256xf32>
    %reduce_min3A_152 = arith.constant dense<0x7F800000> : vector<256xf32>
    %reduce_min3A_153 = vector.multi_reduction <minimumf>, %add3A_151, %reduce_min3A_152 [0] : vector<1024x256xf32> to vector<256xf32>
    %iota3A_154 = tpu.iota {dimensions = array<i32: 0>} : vector<1024x256xi32>
    %broadcast_in_dim3A_155 = vector.shape_cast %reduce_min3A_153 : vector<256xf32> to vector<1x256xf32>
    %eq3A_156 = vector.broadcast %broadcast_in_dim3A_155 : vector<1x256xf32> to vector<1024x256xf32>
    %eq3A_157 = arith.cmpf oeq, %add3A_151, %eq3A_156 : vector<1024x256xf32>
    %jit3A_158 = arith.constant 1024 : i32
    %broadcast_in_dim3A_159 = vector.broadcast %jit3A_158 : i32 to vector<1024x256xi32>
    %select_n3A_160 = arith.select %eq3A_157, %iota3A_154, %broadcast_in_dim3A_159 : vector<1024x256xi1>, vector<1024x256xi32>
    %reduce_min3A_161 = arith.constant dense<2147483647> : vector<256xi32>
    %reduce_min3A_162 = vector.multi_reduction <minsi>, %select_n3A_160, %reduce_min3A_161 [0] : vector<1024x256xi32> to vector<256xi32>
    %add3A_163 = arith.constant 5120 : i32
    %add3A_164 = vector.broadcast %add3A_163 : i32 to vector<256xi32>
    %add3A_165 = arith.addi %reduce_min3A_162, %add3A_164 : vector<256xi32>
    %lt3A_166 = arith.cmpf olt, %reduce_min3A_153, %min3A_140 : vector<256xf32>
    %select_n3A_167 = arith.select %lt3A_166, %add3A_165, %select_n3A_139 : vector<256xi1>, vector<256xi32>
    %min3A_168 = arith.minimumf %min3A_140, %reduce_min3A_153 : vector<256xf32>
    %get3A_169 = arith.constant 6144 : index
    %get3A_170 = arith.constant 0 : index
    %get3A_171 = vector.load %arg2[%get3A_169, %get3A_170] : memref<8192x256xf32, #tpu.memory_space<vmem>>, vector<1024x256xf32>
    %dot_general3A_172 = arith.constant dense<0.000000e+00> : vector<1024x256xf32>
    %dot_general3A_173 = tpu.matmul %get3A_171, %mul3A_11, %dot_general3A_172 {dimension_numbers = #tpu.dot_dimension_numbers<[1], [1], [0], [0], [0, 0, 1, 0], [], []>, transpose_lhs_hint = false} : vector<1024x256xf32>, vector<256x256xf32>, vector<1024x256xf32> -> vector<1024x256xf32>
    %get3A_174 = arith.constant 6144 : index
    %get3A_175 = arith.constant 0 : index
    %get3A_176 = vector.load %arg3[%get3A_174, %get3A_175] : memref<8192x256xf32, #tpu.memory_space<vmem>>, vector<1024x256xf32>
    %add3A_177 = vector.broadcast %reshape3A : vector<1x256xf32> to vector<1024x256xf32>
    %add3A_178 = arith.addf %get3A_176, %add3A_177 : vector<1024x256xf32>
    %add3A_179 = arith.addf %add3A_178, %dot_general3A_173 : vector<1024x256xf32>
    %reduce_min3A_180 = arith.constant dense<0x7F800000> : vector<256xf32>
    %reduce_min3A_181 = vector.multi_reduction <minimumf>, %add3A_179, %reduce_min3A_180 [0] : vector<1024x256xf32> to vector<256xf32>
    %iota3A_182 = tpu.iota {dimensions = array<i32: 0>} : vector<1024x256xi32>
    %broadcast_in_dim3A_183 = vector.shape_cast %reduce_min3A_181 : vector<256xf32> to vector<1x256xf32>
    %eq3A_184 = vector.broadcast %broadcast_in_dim3A_183 : vector<1x256xf32> to vector<1024x256xf32>
    %eq3A_185 = arith.cmpf oeq, %add3A_179, %eq3A_184 : vector<1024x256xf32>
    %jit3A_186 = arith.constant 1024 : i32
    %broadcast_in_dim3A_187 = vector.broadcast %jit3A_186 : i32 to vector<1024x256xi32>
    %select_n3A_188 = arith.select %eq3A_185, %iota3A_182, %broadcast_in_dim3A_187 : vector<1024x256xi1>, vector<1024x256xi32>
    %reduce_min3A_189 = arith.constant dense<2147483647> : vector<256xi32>
    %reduce_min3A_190 = vector.multi_reduction <minsi>, %select_n3A_188, %reduce_min3A_189 [0] : vector<1024x256xi32> to vector<256xi32>
    %add3A_191 = arith.constant 6144 : i32
    %add3A_192 = vector.broadcast %add3A_191 : i32 to vector<256xi32>
    %add3A_193 = arith.addi %reduce_min3A_190, %add3A_192 : vector<256xi32>
    %lt3A_194 = arith.cmpf olt, %reduce_min3A_181, %min3A_168 : vector<256xf32>
    %select_n3A_195 = arith.select %lt3A_194, %add3A_193, %select_n3A_167 : vector<256xi1>, vector<256xi32>
    %min3A_196 = arith.minimumf %min3A_168, %reduce_min3A_181 : vector<256xf32>
    %get3A_197 = arith.constant 7168 : index
    %get3A_198 = arith.constant 0 : index
    %get3A_199 = vector.load %arg2[%get3A_197, %get3A_198] : memref<8192x256xf32, #tpu.memory_space<vmem>>, vector<1024x256xf32>
    %dot_general3A_200 = arith.constant dense<0.000000e+00> : vector<1024x256xf32>
    %dot_general3A_201 = tpu.matmul %get3A_199, %mul3A_11, %dot_general3A_200 {dimension_numbers = #tpu.dot_dimension_numbers<[1], [1], [0], [0], [0, 0, 1, 0], [], []>, transpose_lhs_hint = false} : vector<1024x256xf32>, vector<256x256xf32>, vector<1024x256xf32> -> vector<1024x256xf32>
    %get3A_202 = arith.constant 7168 : index
    %get3A_203 = arith.constant 0 : index
    %get3A_204 = vector.load %arg3[%get3A_202, %get3A_203] : memref<8192x256xf32, #tpu.memory_space<vmem>>, vector<1024x256xf32>
    %add3A_205 = vector.broadcast %reshape3A : vector<1x256xf32> to vector<1024x256xf32>
    %add3A_206 = arith.addf %get3A_204, %add3A_205 : vector<1024x256xf32>
    %add3A_207 = arith.addf %add3A_206, %dot_general3A_201 : vector<1024x256xf32>
    %reduce_min3A_208 = arith.constant dense<0x7F800000> : vector<256xf32>
    %reduce_min3A_209 = vector.multi_reduction <minimumf>, %add3A_207, %reduce_min3A_208 [0] : vector<1024x256xf32> to vector<256xf32>
    %iota3A_210 = tpu.iota {dimensions = array<i32: 0>} : vector<1024x256xi32>
    %broadcast_in_dim3A_211 = vector.shape_cast %reduce_min3A_209 : vector<256xf32> to vector<1x256xf32>
    %eq3A_212 = vector.broadcast %broadcast_in_dim3A_211 : vector<1x256xf32> to vector<1024x256xf32>
    %eq3A_213 = arith.cmpf oeq, %add3A_207, %eq3A_212 : vector<1024x256xf32>
    %jit3A_214 = arith.constant 1024 : i32
    %broadcast_in_dim3A_215 = vector.broadcast %jit3A_214 : i32 to vector<1024x256xi32>
    %select_n3A_216 = arith.select %eq3A_213, %iota3A_210, %broadcast_in_dim3A_215 : vector<1024x256xi1>, vector<1024x256xi32>
    %reduce_min3A_217 = arith.constant dense<2147483647> : vector<256xi32>
    %reduce_min3A_218 = vector.multi_reduction <minsi>, %select_n3A_216, %reduce_min3A_217 [0] : vector<1024x256xi32> to vector<256xi32>
    %add3A_219 = arith.constant 7168 : i32
    %add3A_220 = vector.broadcast %add3A_219 : i32 to vector<256xi32>
    %add3A_221 = arith.addi %reduce_min3A_218, %add3A_220 : vector<256xi32>
    %lt3A_222 = arith.cmpf olt, %reduce_min3A_209, %min3A_196 : vector<256xf32>
    %select_n3A_223 = arith.select %lt3A_222, %add3A_221, %select_n3A_195 : vector<256xi1>, vector<256xi32>
    %min3A_224 = arith.minimumf %min3A_196, %reduce_min3A_209 : vector<256xf32>
    %swap3A = arith.constant 0 : index
    %swap3A_225 = vector.load %arg4[%swap3A] : memref<256xi32, #tpu.memory_space<vmem>>, vector<256xi32>
    tpu.vector_store %arg4[%swap3A], %select_n3A_223 {strides = array<i32>} : memref<256xi32, #tpu.memory_space<vmem>>, vector<256xi32>,
    %swap3A_226 = arith.constant 0 : index
    %swap3A_227 = vector.load %arg5[%swap3A_226] : memref<256xf32, #tpu.memory_space<vmem>>, vector<256xf32>
    tpu.vector_store %arg5[%swap3A_226], %min3A_224 {strides = array<i32>} : memref<256xf32, #tpu.memory_space<vmem>>, vector<256xf32>,
    return
  }
  func.func @transform_0(%arg0: i32) -> (i32, i32) {
    %c0_i32 = arith.constant 0 : i32
    %c0_i32_0 = arith.constant 0 : i32
    return %arg0, %c0_i32 : i32, i32
  }
  func.func @transform_1(%arg0: i32) -> (i32, i32) {
    %c0_i32 = arith.constant 0 : i32
    %c0_i32_0 = arith.constant 0 : i32
    %c0_i32_1 = arith.constant 0 : i32
    return %c0_i32, %c0_i32_0 : i32, i32
  }
  func.func @transform_2(%arg0: i32) -> (i32, i32) {
    %c0_i32 = arith.constant 0 : i32
    %c0_i32_0 = arith.constant 0 : i32
    %c0_i32_1 = arith.constant 0 : i32
    return %c0_i32, %c0_i32_0 : i32, i32
  }
  func.func @transform_3(%arg0: i32) -> i32 {
    %c0_i32 = arith.constant 0 : i32
    return %arg0 : i32
  }
  func.func @transform_4(%arg0: i32) -> i32 {
    %c0_i32 = arith.constant 0 : i32
    return %arg0 : i32
  }
}

module attributes {stable_mosaic.version = 14 : i64} {
  func.func @_w2_body(%arg0: memref<8192x256xf32, #tpu.memory_space<vmem>>, %arg1: memref<8192x256xf32, #tpu.memory_space<vmem>>) attributes {dimension_semantics = [], scalar_prefetch = 0 : i64, scratch_operands = 0 : i64, tpu.core_type = #tpu.core_type<tc>} {
    %get3A = arith.constant 0 : index
    %get3A_0 = arith.constant 0 : index
    %get3A_1 = vector.load %arg0[%get3A, %get3A_0] : memref<8192x256xf32, #tpu.memory_space<vmem>>, vector<8192x256xf32>
    %mul3A = arith.mulf %get3A_1, %get3A_1 : vector<8192x256xf32>
    %reduce_sum3A = arith.constant dense<0.000000e+00> : vector<8192xf32>
    %reduce_sum3A_2 = vector.multi_reduction <add>, %mul3A, %reduce_sum3A [1] : vector<8192x256xf32> to vector<8192xf32>
    %broadcast_in_dim3A = vector.shape_cast %reduce_sum3A_2 : vector<8192xf32> to vector<8192x1xf32>
    %broadcast_in_dim3A_3 = arith.constant 0.000000e+00 : f32
    %broadcast_in_dim3A_4 = vector.broadcast %broadcast_in_dim3A_3 : f32 to vector<1x256xf32>
    %add3A = vector.broadcast %broadcast_in_dim3A : vector<8192x1xf32> to vector<8192x256xf32>
    %add3A_5 = vector.broadcast %broadcast_in_dim3A_4 : vector<1x256xf32> to vector<8192x256xf32>
    %add3A_6 = arith.addf %add3A, %add3A_5 : vector<8192x256xf32>
    %swap3A = arith.constant 0 : index
    %swap3A_7 = arith.constant 0 : index
    %swap3A_8 = vector.load %arg1[%swap3A, %swap3A_7] : memref<8192x256xf32, #tpu.memory_space<vmem>>, vector<8192x256xf32>
    tpu.vector_store %arg1[%swap3A, %swap3A_7], %add3A_6 {strides = array<i32>} : memref<8192x256xf32, #tpu.memory_space<vmem>>, vector<8192x256xf32>,
    return
  }
}

</mosaic_0001>

<sc_bundles>
// kernel: kernel.5.cloned.1.call-start
scs
__scs_entry_jumppad:
0x0: {  	(pc) =	sbr.rel $0x88, $3  }
0x1: {  	(tag) =	ssettag $0x0;
	lr =	simm.s32 $0x1  }
0x2: {  	[smem:$0x3F9F] =	sst lr;
	_ =	strace $0xD0000000  }
0x3: {  	_ = 	snop  }
0x4: {  	_ = 	snop  }
0x5: {  	_ = 	snop  }
0x6: {  	_ = 	snop  }
0x7: {  	_ = 	snop  }
__scs_overlays_trampoline_lowered:
0x8: {  	[smem:$0x3FAE] =	sst s0  }
0x9: {  	[smem:$0x3FAF] =	sst s1  }
0xa: {  	[smem:$0x3FB0] =	sst s2  }
0xb: {  	[smem:$0x3FB1] =	sst s3  }
0xc: {  	[smem:$0x3FB2] =	sst s4  }
0xd: {  	[smem:$0x3FB3] =	sst s5  }
0xe: {  	[smem:$0x3FB4] =	sst s6  }
0xf: {  	[smem:$0x3FB5] =	sst s7  }
0x10: {  	[smem:$0x3FB6] =	sst s8  }
0x11: {  	[smem:$0x3FB7] =	sst s9;
	s0 =	simm.s32 @!p0 $0x0  }
0x12: {  	s1 =	sld [smem:$0x3F9D];
	s0 =	simm.s32 @p0 $0x1  }
0x13: {  	[smem:$0x3FB8] =	sst s0;
	s0 =	simm.s32 @!p1 $0x0  }
0x14: {  	s2 =	sld [smem:$0x3F9C];
	s0 =	simm.s32 @p1 $0x1  }
0x15: {  	[smem:$0x3FB9] =	sst s0;
	s0 =	simm.s32 @!p2 $0x0  }
0x16: {  	s3 =	sld [smem:$0x3FDB];
	s0 =	simm.s32 @p2 $0x1  }
0x17: {  	s4 =	simm.s32 $0x1BF5;
	[smem:$0x3FBB] =	sst s0  }
0x18: {  	s0 =	sld [smem:$0x3F9E];
	_ =	swait.ge [sflag:s4], $0x0  }
0x19: {  	s7 =	sld [smem:$0x3F9F]  }
0x1a: {  	s8 =	sadd.s32 $0xFFFFE003, lr  }
0x1b: {  	s9 =	sadd.s32 $0xFFFFFEF7, lr;
	s5 =	simm.s32 $0xFFFFFFFF;
	p2 =	slt.u32 s8, $0xFFFFF086  }
0x1c: {  	p1 =	slt.u32 s9, $0xF7A;
	s5 =	simm.s32 @!p2 $0x0  }
0x1d: {  	s5 =	simm.s32 @p1 $0x1;
	p0 =	seq.s32 s7, s2  }
0x1e: {  	s7 =	smul.u32 @!p0 $0xF7A, s2;
	p2 =	seq.s32 @!p0 s5, $0x0  }
0x1f: {  	s9 =	smul.u32 $0xF7A, s1;
	s8 =	simm.s32 @!p0 $0x1BF5;
	p2 =	por !p2, p0  }
0x20: {  	[sflag:s8] =	ssyncset.s32 @!p0 $0xFFFFF086;
	s6 =	sadd.s32 @!p0 s3, s7;
	s7 =	simm.s32 @!p0 $0x108  }
0x21: {  	s3 =	sadd.s32 s3, s9;
	s6 =	sadd.s32 @!p0 $0x88, s6;
	s7 =	simm.s32 @p2 $0x1082  }
0x22: {  	[simem:s7], [sflag:s8] =	dma.local @!p0 [hbm:s6], $0xF7A  }
0x23: {  	s9 =	sor.u32 $0xD0000000, s2;
	s6 =	simm.s32 $0x108;
	_ =	swait.ge @!p0 [sflag:s8], $0x0  }
0x24: {  	s3 =	sadd.s32 $0x88, s3;
	s6 =	simm.s32 @!p1 $0x1082;
	[sflag:s4] =	ssyncset.s32 $0xFFFFF086  }
0x25: {  	[simem:s6], [sflag:s4] =	dma.local [hbm:s3], $0xF7A  }
0x26: {  	[smem:$0x3F9F] =	sst s1;
	(tag) =	ssettag s2;
	_ =	strace s9  }
0x27: {  	s1 =	sld [smem:$0x3FAF]  }
0x28: {  	s2 =	sld [smem:$0x3FB0]  }
0x29: {  	s4 =	sld [smem:$0x3FB2]  }
0x2a: {  	p0 =	seq.s32 s5, $0x0;
	s5 =	sld [smem:$0x3FB3]  }
0x2b: {  	s6 =	sld [smem:$0x3FB4]  }
0x2c: {  	s7 =	sld [smem:$0x3FB5]  }
0x2d: {  	s3 =	simm.s32 $0x108;
	s8 =	sld [smem:$0x3FB6]  }
0x2e: {  	s3 =	simm.s32 @!p0 $0x1082;
	s9 =	sld [smem:$0x3FB7]  }
0x2f: {  	lr =	sadd.s32 s0, s3;
	s0 =	sld [smem:$0x3FAE]  }
0x30: {  	s3 =	sld [smem:$0x3FB1]  }
0x31: {  	[smem:$0x3FBA] =	sst s10  }
0x32: {  	s10 =	sld [smem:$0x3FB8];
	_ =	sdelay $0x3  }
0x33: {  	p0 =	seq.s32 s10, $0x1;
	s10 =	sld [smem:$0x3FBA];
	_ =	sdelay $0x3  }
0x34: {  	[smem:$0x3FBA] =	sst s10  }
0x35: {  	s10 =	sld [smem:$0x3FB9];
	_ =	sdelay $0x3  }
0x36: {  	p1 =	seq.s32 s10, $0x1;
	s10 =	sld [smem:$0x3FBA];
	_ =	sdelay $0x3  }
0x37: {  	[smem:$0x3FBA] =	sst s10  }
0x38: {  	s10 =	sld [smem:$0x3FBB]  }
0x39: {  	_ = 	snop;
	(pc) =	sbr.ind lr, $3  }
0x3a: {  	_ = 	snop  }
0x3b: {  	_ = 	snop  }
0x3c: {  	p2 =	seq.s32 s10, $0x1;
	s10 =	sld [smem:$0x3FBA]  }
0x3d: {  	_ =	shalt  }
0x3e: {  	_ =	shalt  }
0x3f: {  	_ =	shalt  }
0x40: {  	_ =	shalt  }
0x41: {  	_ =	shalt  }
0x42: {  	_ =	shalt  }
0x43: {  	_ =	shalt  }
0x44: {  	_ =	shalt  }
0x45: {  	_ =	shalt  }
0x46: {  	_ =	shalt  }
0x47: {  	_ =	shalt  }
0x48: {  	_ =	shalt  }
0x49: {  	_ =	shalt  }
0x4a: {  	_ =	shalt  }
0x4b: {  	_ =	shalt  }
0x4c: {  	_ =	shalt  }
0x4d: {  	_ =	shalt  }
0x4e: {  	_ =	shalt  }
0x4f: {  	_ =	shalt  }
0x50: {  	_ =	shalt  }
0x51: {  	_ =	shalt  }
0x52: {  	_ =	shalt  }
0x53: {  	_ =	shalt  }
0x54: {  	_ =	shalt  }
0x55: {  	_ =	shalt  }
0x56: {  	_ =	shalt  }
0x57: {  	_ =	shalt  }
0x58: {  	_ =	shalt  }
0x59: {  	_ =	shalt  }
0x5a: {  	_ =	shalt  }
0x5b: {  	_ =	shalt  }
0x5c: {  	_ =	shalt  }
0x5d: {  	_ =	shalt  }
0x5e: {  	_ =	shalt  }
0x5f: {  	_ =	shalt  }
0x60: {  	_ =	shalt  }
0x61: {  	_ =	shalt  }
0x62: {  	_ =	shalt  }
0x63: {  	_ =	shalt  }
0x64: {  	_ =	shalt  }
0x65: {  	_ =	shalt  }
0x66: {  	_ =	shalt  }
0x67: {  	_ =	shalt  }
0x68: {  	_ =	shalt  }
0x69: {  	_ =	shalt  }
0x6a: {  	_ =	shalt  }
0x6b: {  	_ =	shalt  }
0x6c: {  	_ =	shalt  }
0x6d: {  	_ =	shalt  }
0x6e: {  	_ =	shalt  }
0x6f: {  	_ =	shalt  }
0x70: {  	_ =	shalt  }
0x71: {  	_ =	shalt  }
0x72: {  	_ =	shalt  }
0x73: {  	_ =	shalt  }
0x74: {  	_ =	shalt  }
0x75: {  	_ =	shalt  }
0x76: {  	_ =	shalt  }
0x77: {  	_ =	shalt  }
0x78: {  	_ =	shalt  }
0x79: {  	_ =	shalt  }
0x7a: {  	_ =	shalt  }
0x7b: {  	_ =	shalt  }
0x7c: {  	_ =	shalt  }
0x7d: {  	_ =	shalt  }
0x7e: {  	_ =	shalt  }
0x7f: {  	_ =	shalt  }
0x80: {  	_ =	shalt  }
0x81: {  	_ =	shalt  }
0x82: {  	_ =	shalt  }
0x83: {  	_ =	shalt  }
0x84: {  	_ =	shalt  }
0x85: {  	_ =	shalt  }
0x86: {  	_ =	shalt  }
0x87: {  	_ =	shalt  }
.Lfunc_end0:
.L_simem_size_0:
called_computation_lowered:
.L_overlay_start_0:
0x88: {  	s2 =	sld [smem:$0x3FD9]  }
0x89: {  	s3 =	sld [smem:$0x3FFE];
	_ =	sdelay $0x1  }
0x8a: {  	s1 =	srdreg.scid  }
0x8b: {  	s0 =	sand.u32 $0x1, s1  }
0x8c: {  	s15 =	sshll.u32 s0, $0xA;
	s2 =	sadd.s32 s3, s2  }
0x8d: {  	s2 =	sadd.s32 s2, s15  }
0x8e: {  	[smem:$0x3FC6] =	sst s2  }
0x8f: {  	_ = 	snop  }
0x90: {  	s2 =	sld [smem:$0x3FD0];
	_ =	sdelay $0x2  }
0x91: {  	s4 =	simm.s32 $0xA;
	s5 =	simm.s32 $0x10;
	s16 =	sld [smem:$0x3FC8]  }
0x92: {  	[smem:s5], [sflag:s4] =	dma.local [hbm:s2], $0x1  }
0x93: {  	_ =	swait.eq [sflag:s4], $0x1  }
0x94: {  	[sflag:s4] =	ssyncset.done $0x0  }
0x95: {  	s17 =	sld [smem:$0x10];
	[sflag:s4] =	ssyncadd.s32 $0xFFFFFFFF  }
0x96: {  	s18 =	sld [smem:$0x12];
	(tm) =	ssettm $0x1  }
0x97: {  	s19 =	sld [smem:$0x3FFB];
	_ =	sdelay $0x3  }
0x98: {  	_ =	strace s19  }
0x99: {  	s5 =	sld [smem:$0x3FFC];
	_ =	sdelay $0x3  }
0x9a: {  	_ =	strace s5  }
0x9b: {  	s5 =	sld [smem:$0x3FFD];
	_ =	sdelay $0x3  }
0x9c: {  	_ =	strace s5  }
0x9d: {  	_ =	strace $0x8FFFFFFF  }
0x9e: {  	s20 =	sld [smem:$0x3FDB];
	_ =	sdelay $0x1  }
0x9f: {  	s6 =	simm.s32 $_scs_section_size  }
0xa0: {  	s7 =	simm.s32 $_size__tile_overlayer_lowered;
	s8 =	simm.s32 $_tile_overlayer_lowered  }
0xa1: {  	s23 =	simm.s32 $0x1BFF;
	s22 =	sshll.u32 s8, $0x1;
	s5 =	sadd.s32 s6, s20  }
0xa2: {  	s9 =	simm.s32 $0x0;
	s21 =	sshll.u32 s7, $0x1;
	s7 =	sadd.s32 s22, s5  }
0xa3: {  	[timem:s9], [sflag:s23] =	dma.local [hbm:s7], s21  }
0xa4: {  	_ =	swait.ge [sflag:s23], s21  }
0xa5: {  	s6 =	ssub.s32 $0x0, s21;
	[sflag:s23] =	ssyncset.done $0x0  }
0xa6: {  	[sflag:s23] =	ssyncadd.s32 s6;
	_ =	sdelay $0x1  }
0xa7: {  	s24 =	simm.s32 $0x1B8B  }
0xa8: {  	_ =	swait.ge [sflag:s24], $0x1  }
0xa9: {  	[sflag:s24] =	ssyncset.done $0x0  }
0xaa: {  	s25 =	simm.s32 $0x1B8E;
	[sflag:s24] =	ssyncadd.s32 $0xFFFFFFFF  }
0xab: {  	s26 =	simm.s32 $execute0_lowered;
	[smem:$0x3FD2] =	sst s25  }
0xac: {  	s6 =	sshll.u32 s26, $0x1;
	_ =	strace $0x80000046;
	[dreg:$0x1] =	wrdreg $0xFFFFFFFF  }
0xad: {  	s28 =	simm.s32 $_size_execute0_lowered;
	s5 =	sadd.s32 s5, s6;
	[dreg:$0x0] =	wrdreg $0x0  }
0xae: {  	s6 =	sshll.u32 s28, $0x1;
	[dreg:$0x2] =	wrdreg s5  }
0xaf: {  	[dreg:$0x3] =	wrdreg s6  }
0xb0: {  	[dreg:$0x4] =	wrdreg $0xC0  }
0xb1: {  	_ =	task [dreg:s9], $0x5FFFF  }
0xb2: {  	[dreg:$0x1] =	wrdreg $0xFFFFFFFF  }
0xb3: {  	[dreg:$0x0] =	wrdreg $0x60  }
0xb4: {  	[dreg:$0x2] =	wrdreg s16  }
0xb5: {  	[dreg:$0x3] =	wrdreg s18  }
0xb6: {  	[dreg:$0x4] =	wrdreg s17  }
0xb7: {  	[dreg:$0x5] =	wrdreg $0x9  }
0xb8: {  	_ =	task.clear_ibuf [dreg:s9], $0x6FFFF;
	_ =	strace $0x90000046  }
0xb9: {  	s29 =	simm.s32 $0x9;
	_ =	strace $0x80000048  }
0xba: {  	_ =	swait.ge [sflag:s29], $0x1  }
0xbb: {  	[sflag:s29] =	ssyncadd.s32 $0xFFFFFFFF  }
0xbc: {  	_ =	strace $0x90000048  }
0xbd: {  	_ =	sfence  }
0xbe: {  	s30 =	sld [smem:$0x0];
	_ =	sdelay $0x2  }
0xbf: {  	s31 =	sshll.u32 s1, $0xD;
	s1 =	sshrl.u32 s1, $0x2  }
0xc0: {  	s3 =	sand.u32 $0x4000, s31;
	s1 =	sadd.s32 s1, s30  }
0xc1: {  	s0 =	sor.u32 s3, s0;
	s1 =	sshll.u32 s1, $0x11  }
0xc2: {  	s0 =	sor.u32 s1, s0  }
0xc3: {  	s0 =	sadd.s32 $0x8F2B, s0  }
0xc4: {  	[sflag:s0] =	ssyncadd.remote.s32 $0x1  }
0xc5: {  	_ =	sfence.sel $0xFFFF  }
0xc6: {  	[dreg:$0x0] =	wrdreg $0xFFFFFFFF;
	(pc) =	sbr.abs _section_cstart, $3  }
0xc7: {  	[dreg:$0x1] =	wrdreg $0xFFFFFFFF  }
0xc8: {  	_ =	task.clear_ibuf [dreg:s9], $0x2FFFF;
	_ =	strace $0x9FFFFFFF  }
0xc9: {  	(tm) =	ssettm $0x7FFFFFFF  }
tec
execute0_lowered:
.L_overlay_start_1:
0x0: {  	(tag) =	ssettag $0x1  }
0x1: {  	s1 =	rddreg [dreg:$0x0]  }
0x2: {  	s6 =	rddreg [dreg:$0x1]  }
0x3: {  	s5 =	rddreg [dreg:$0x2]  }
0x4: {  	s3 =	srdreg.scid;
	s0 =	rddreg [dreg:$0x3];
	s2 =	simm.s32 $0x0  }
0x5: {  	s11 =	simm.s32 $0x1880;
	s12 =	simm.s32 $0x2080;
	s13 =	simm.s32 $0x2880  }
0x6: {  	s14 =	simm.s32 $0x3080;
	s15 =	simm.s32 $0x3880;
	s16 =	simm.s32 $0x4080  }
0x7: {  	s17 =	simm.s32 $0x4880;
	s18 =	simm.s32 $0x5080;
	s19 =	simm.s32 $0x5880  }
0x8: {  	s20 =	simm.s32 $0x6080;
	s21 =	simm.s32 $0x6880;
	s22 =	simm.s32 $0x7080  }
0x9: {  	s23 =	simm.s32 $0x7880;
	s24 =	simm.s32 $0x1;
	s25 =	simm.s32 $0x0  }
0xa: {  	s7 =	sand.u32 $0x1, s3;
	[smem:$0x7FF] =	sst s2;
	s3 =	stileid.u32  }
0xb: {  	s4 =	ssub.s32 $0x2, s7;
	_ =	strace $0x80000047;
	s31 =	sshll.u32 s3, $0xA  }
0xc: {  	s9 =	sshll.u32 s7, $0x9;
	s10 =	sshll.u32 s3, $0xF;
	s7 =	sshll.u32 s7, $0xE  }
0xd: {  	s8 =	sshrl.u32 s4, $0x1;
	s5 =	sadd.s32 s10, s5;
	s10 =	simm.s32 $0x1080  }
0xe: {  	v2 =	vlaneseq.u32;
	s4 =	ssub.s32 s4, s8;
	s8 =	sor.u32 s9, s31;
	s5 =	sadd.s32 s7, s5  }
0xf: {  	vm0 =	vmmov $0xffff;
	v1 =	vshrl.u32 v2, $0x3;
	s7 =	simm.s32 $0x2;
	s9 =	simm.s32 $0x880;
	s8 =	sshrl.u32 s8, $0x3  }
0x10: {  	v0 =	vand.u32 $0x7, v2;
	v2 =	vor.u32 $0x8, v2;
	v1 =	vmul.u32 $0x8, v1;
	s4 =	smax.u32 s4, $0x1;
	s6 =	sadd.s32 s8, s6;
	s8 =	simm.s32 $0x80  }
.LBB2_1:
0x11: {  	s26 =	smov.u32 s5;
	s28 =	simm.s32 $0x0  }
.LBB2_2:
0x12: {  	s29 =	sadd.s32 s28, s6  }
0x13: {  	[tilespmem:s2], [sflag:$0x2] =	stream.linear.gather [hbm4b:s29+s2], $0x80, $0x38;
	[tilespmem:$0x8080] =	vst v63  }
0x14: {  	_ =	swait.ge [sflag:s7], $0x80  }
0x15: {  	[sflag:s7] =	ssyncset.done $0x0  }
0x16: {  	[sflag:s7] =	ssyncadd.s32 $0xFFFFFF80  }
0x17: {  	v3 =	vld [tilespmem:$0x0];
	_ =	sdelay $0x4  }
0x18: {  	v4 =	vshll.u32 v3, $0x1  }
0x19: {  	v3 =	vand.u32 $0x7, v3;
	v4 =	vand.u32 $0xFFFFFFF0, v4  }
0x1a: {  	v3 =	vor.u32 v3, v4  }
0x1b: {  	v4 =	vperm.xlane v3, v0;
	_ =	sdelay $0x1  }
0x1c: {  	v3 =	vperm.xlane v3, v2;
	v4 =	vadd.s32 v1, v4;
	_ =	sdelay $0x1  }
0x1d: {  	v3 =	vadd.s32 v1, v3;
	_ =	sdelay $0x2  }
0x1e: {  	[tilespmem:s8], [sflag:$0x1] =	stream.indirect_vreg.gather [hbm4b:s1+s2], $0x80, v4, vm0, $0xb8;
	[tilespmem:$0x8080] =	vst v63  }
0x1f: {  	_ = 	snop  }
0x20: {  	[tilespmem:s9], [sflag:$0x1] =	stream.indirect_vreg.gather [hbm4b:s1+s2], $0x80, v3, vm0, $0xb8;
	[tilespmem:$0x8080] =	vst v63  }
0x21: {  	v3 =	vld [tilespmem:$0x10];
	_ =	sdelay $0x4  }
0x22: {  	v57 =	vshll.u32 v3, $0x1  }
0x23: {  	v3 =	vand.u32 $0x7, v3;
	v4 =	vand.u32 $0xFFFFFFF0, v57  }
0x24: {  	v3 =	vor.u32 v3, v4  }
0x25: {  	v4 =	vperm.xlane v3, v0;
	_ =	sdelay $0x1  }
0x26: {  	v3 =	vperm.xlane v3, v2;
	v4 =	vadd.s32 v1, v4;
	_ =	sdelay $0x1  }
0x27: {  	v3 =	vadd.s32 v1, v3;
	_ =	sdelay $0x2  }
0x28: {  	[tilespmem:s10], [sflag:$0x1] =	stream.indirect_vreg.gather [hbm4b:s1+s2], $0x80, v4, vm0, $0xb8;
	[tilespmem:$0x8080] =	vst v63  }
0x29: {  	_ = 	snop  }
0x2a: {  	[tilespmem:s11], [sflag:$0x1] =	stream.indirect_vreg.gather [hbm4b:s1+s2], $0x80, v3, vm0, $0xb8;
	[tilespmem:$0x8080] =	vst v63  }
0x2b: {  	v3 =	vld [tilespmem:$0x20];
	_ =	sdelay $0x4  }
0x2c: {  	v58 =	vshll.u32 v3, $0x1  }
0x2d: {  	v3 =	vand.u32 $0x7, v3;
	v4 =	vand.u32 $0xFFFFFFF0, v58  }
0x2e: {  	v3 =	vor.u32 v3, v4  }
0x2f: {  	v4 =	vperm.xlane v3, v0;
	_ =	sdelay $0x1  }
0x30: {  	v3 =	vperm.xlane v3, v2;
	v4 =	vadd.s32 v1, v4;
	_ =	sdelay $0x1  }
0x31: {  	v3 =	vadd.s32 v1, v3;
	_ =	sdelay $0x2  }
0x32: {  	[tilespmem:s12], [sflag:$0x1] =	stream.indirect_vreg.gather [hbm4b:s1+s2], $0x80, v4, vm0, $0xb8;
	[tilespmem:$0x8080] =	vst v63  }
0x33: {  	_ = 	snop  }
0x34: {  	[tilespmem:s13], [sflag:$0x1] =	stream.indirect_vreg.gather [hbm4b:s1+s2], $0x80, v3, vm0, $0xb8;
	[tilespmem:$0x8080] =	vst v63  }
0x35: {  	v3 =	vld [tilespmem:$0x30];
	_ =	sdelay $0x4  }
0x36: {  	v59 =	vshll.u32 v3, $0x1  }
0x37: {  	v3 =	vand.u32 $0x7, v3;
	v4 =	vand.u32 $0xFFFFFFF0, v59  }
0x38: {  	v3 =	vor.u32 v3, v4  }
0x39: {  	v4 =	vperm.xlane v3, v0;
	_ =	sdelay $0x1  }
0x3a: {  	v3 =	vperm.xlane v3, v2;
	v4 =	vadd.s32 v1, v4;
	_ =	sdelay $0x1  }
0x3b: {  	v3 =	vadd.s32 v1, v3;
	_ =	sdelay $0x2  }
0x3c: {  	[tilespmem:s14], [sflag:$0x1] =	stream.indirect_vreg.gather [hbm4b:s1+s2], $0x80, v4, vm0, $0xb8;
	[tilespmem:$0x8080] =	vst v63  }
0x3d: {  	_ = 	snop  }
0x3e: {  	[tilespmem:s15], [sflag:$0x1] =	stream.indirect_vreg.gather [hbm4b:s1+s2], $0x80, v3, vm0, $0xb8;
	[tilespmem:$0x8080] =	vst v63  }
0x3f: {  	v3 =	vld [tilespmem:$0x40];
	_ =	sdelay $0x4  }
0x40: {  	v60 =	vshll.u32 v3, $0x1  }
0x41: {  	v3 =	vand.u32 $0x7, v3;
	v4 =	vand.u32 $0xFFFFFFF0, v60  }
0x42: {  	v3 =	vor.u32 v3, v4  }
0x43: {  	v4 =	vperm.xlane v3, v0;
	_ =	sdelay $0x1  }
0x44: {  	v3 =	vperm.xlane v3, v2;
	v4 =	vadd.s32 v1, v4;
	_ =	sdelay $0x1  }
0x45: {  	v3 =	vadd.s32 v1, v3;
	_ =	sdelay $0x2  }
0x46: {  	[tilespmem:s16], [sflag:$0x1] =	stream.indirect_vreg.gather [hbm4b:s1+s2], $0x80, v4, vm0, $0xb8;
	[tilespmem:$0x8080] =	vst v63  }
0x47: {  	_ = 	snop  }
0x48: {  	[tilespmem:s17], [sflag:$0x1] =	stream.indirect_vreg.gather [hbm4b:s1+s2], $0x80, v3, vm0, $0xb8;
	[tilespmem:$0x8080] =	vst v63  }
0x49: {  	v3 =	vld [tilespmem:$0x50];
	_ =	sdelay $0x4  }
0x4a: {  	v61 =	vshll.u32 v3, $0x1  }
0x4b: {  	v3 =	vand.u32 $0x7, v3;
	v4 =	vand.u32 $0xFFFFFFF0, v61  }
0x4c: {  	v3 =	vor.u32 v3, v4  }
0x4d: {  	v4 =	vperm.xlane v3, v0;
	_ =	sdelay $0x1  }
0x4e: {  	v3 =	vperm.xlane v3, v2;
	v4 =	vadd.s32 v1, v4;
	_ =	sdelay $0x1  }
0x4f: {  	v3 =	vadd.s32 v1, v3;
	_ =	sdelay $0x2  }
0x50: {  	[tilespmem:s18], [sflag:$0x1] =	stream.indirect_vreg.gather [hbm4b:s1+s2], $0x80, v4, vm0, $0xb8;
	[tilespmem:$0x8080] =	vst v63  }
0x51: {  	_ = 	snop  }
0x52: {  	[tilespmem:s19], [sflag:$0x1] =	stream.indirect_vreg.gather [hbm4b:s1+s2], $0x80, v3, vm0, $0xb8;
	[tilespmem:$0x8080] =	vst v63  }
0x53: {  	v3 =	vld [tilespmem:$0x60];
	_ =	sdelay $0x4  }
0x54: {  	v62 =	vshll.u32 v3, $0x1  }
0x55: {  	v3 =	vand.u32 $0x7, v3;
	v4 =	vand.u32 $0xFFFFFFF0, v62  }
0x56: {  	v3 =	vor.u32 v3, v4  }
0x57: {  	v4 =	vperm.xlane v3, v0;
	_ =	sdelay $0x1  }
0x58: {  	v3 =	vperm.xlane v3, v2;
	v4 =	vadd.s32 v1, v4;
	_ =	sdelay $0x1  }
0x59: {  	v3 =	vadd.s32 v1, v3;
	_ =	sdelay $0x2  }
0x5a: {  	[tilespmem:s20], [sflag:$0x1] =	stream.indirect_vreg.gather [hbm4b:s1+s2], $0x80, v4, vm0, $0xb8;
	[tilespmem:$0x8080] =	vst v63  }
0x5b: {  	_ = 	snop  }
0x5c: {  	[tilespmem:s21], [sflag:$0x1] =	stream.indirect_vreg.gather [hbm4b:s1+s2], $0x80, v3, vm0, $0xb8;
	[tilespmem:$0x8080] =	vst v63  }
0x5d: {  	v3 =	vld [tilespmem:$0x70];
	_ =	sdelay $0x4  }
0x5e: {  	v63 =	vshll.u32 v3, $0x1  }
0x5f: {  	v3 =	vand.u32 $0x7, v3;
	v4 =	vand.u32 $0xFFFFFFF0, v63  }
0x60: {  	v3 =	vor.u32 v3, v4  }
0x61: {  	v4 =	vperm.xlane v3, v0;
	_ =	sdelay $0x1  }
0x62: {  	v3 =	vperm.xlane v3, v2;
	v4 =	vadd.s32 v1, v4;
	_ =	sdelay $0x1  }
0x63: {  	v3 =	vadd.s32 v1, v3;
	_ =	sdelay $0x2  }
0x64: {  	[tilespmem:s22], [sflag:$0x1] =	stream.indirect_vreg.gather [hbm4b:s1+s2], $0x80, v4, vm0, $0xb8;
	[tilespmem:$0x8080] =	vst v63  }
0x65: {  	_ = 	snop  }
0x66: {  	[tilespmem:s23], [sflag:$0x1] =	stream.indirect_vreg.gather [hbm4b:s1+s2], $0x80, v3, vm0, $0xb8;
	[tilespmem:$0x8080] =	vst v63  }
0x67: {  	_ =	swait.ge [sflag:s24], $0x8000  }
0x68: {  	p0 =	sne.s32 s28, $0x30;
	[sflag:s24] =	ssyncset.done $0x0  }
.Ltmp0:
0x69: {  	[sflag:s24] =	ssyncadd.s32 $0xFFFF8000;
	(pc) =	sbr.rel @p0 .LBB2_2-.Ltmp0, $4  }
0x6a: {  	[hbm4b:s26+s2] =	stream.linear.scatter [tilespmem:s8], [sflag:$0x2], $0x8000, $0x38;
	[tilespmem:$0x8080] =	vst v63  }
0x6b: {  	_ =	swait.ge [sflag:s7], $0x8000  }
0x6c: {  	[sflag:s7] =	ssyncset.done $0x0  }
0x6d: {  	s28 =	sadd.s32 $0x10, s28;
	s26 =	sadd.s32 $0x1000, s26;
	[sflag:s7] =	ssyncadd.s32 $0xFFFF8000  }
0x6e: {  	s25 =	sadd.s32 $0x1, s25  }
0x6f: {  	p0 =	sne.s32 s25, s4  }
.Ltmp1:
0x70: {  	_ = 	snop;
	(pc) =	sbr.rel @p0 .LBB2_1-.Ltmp1, $1  }
0x71: {  	_ =	sdelay $0x3  }
0x72: {  	_ =	sfence.sel $0x180000  }
0x73: {  	[bflag:$0x0] =	sbarrier.arrive $0xFFFF  }
0x74: {  	p0 =	sne.s32 s3, $0x0;
	_ =	strace $0x90000047  }
0x75: {  	s0 =	sadd.s32 @!p0 $0x100000, s0;
	[bflag:$0x2] =	sbarrier.arrive $0xFFFF  }
0x76: {  	[sflag:s0] =	ssyncadd.tile.s32 @!p0 $0x1;
	_ =	shalt  }
.Lfunc_end2:
_tile_overlayer_lowered:
.L_overlay_start_2:
0x77: {  	(tag) =	ssettag $0x2  }
0x78: {  	s0 =	rddreg [dreg:$0x0];
	s2 =	stileid.u32  }
0x79: {  	s1 =	rddreg [dreg:$0x1];
	p0 =	sne.s32 s2, $0x0  }
0x7a: {  	s3 =	rddreg [dreg:$0x2];
	[bflag:$0x3] =	sbarrier.arrive $0xFFFF;
	s2 =	simm.s32 @!p0 $0x1C02  }
0x7b: {  	[timem:s3], [sflag:s2] =	dma.local @!p0 [hbm:s0], s1  }
0x7c: {  	s0 =	simm.s32 @!p0 $0x2  }
0x7d: {  	_ =	swait.ge @!p0 [sflag:s0], s1  }
0x7e: {  	s1 =	ssub.s32 @!p0 $0x0, s1;
	[sflag:s0] =	ssyncset.done @!p0 $0x0  }
0x7f: {  	[sflag:s0] =	ssyncadd.s32 @!p0 s1  }
0x80: {  	[bflag:$0x3] =	sbarrier.arrive $0xFFFF  }
0x81: {  	_ =	shalt  }

</sc_bundles>
